<compile_context>
chip_gen: v7x
topology: tpu7x:2x2x1
jax: 0.10.2.dev20260603
libtpu: 0.0.44.dev20260713+nightly
codegen_flags: <defaults>
</compile_context>

<pallas_src>
import functools

import jax
import jax.numpy as jnp
from jax import lax
from jax.experimental import pallas as pl
from jax.experimental.pallas import tpu as pltpu
from jax.experimental.pallas import tpu_sc as plsc

_ROWS = 50
_COLS = 16384
_VOCAB = 128
_NC = 2
_NS = 16
_NL = 16
_NW = _NC * _NS
_CPW = _COLS // _NW


def _make_sc_kernel():
    mesh = plsc.VectorSubcoreMesh(core_axis_name="c", subcore_axis_name="s")

    hwords = _CPW * _VOCAB
    nch = 4
    gpc = _CPW // _NL // nch

    @functools.partial(
        pl.kernel,
        mesh=mesh,
        compiler_params=pltpu.CompilerParams(needs_layout_passes=False),
        out_type=jax.ShapeDtypeStruct((_COLS, _VOCAB), jnp.float32),
        scratch_types=[
            pltpu.VMEM((_ROWS, _CPW), jnp.int32),
            pltpu.VMEM((_CPW, _VOCAB), jnp.float32),
            pltpu.SemaphoreType.DMA,
        ],
    )
    def hist_kernel(x_hbm, out_hbm, x_v, hist_v, sem):
        wid = lax.axis_index("s") * _NC + lax.axis_index("c")
        base = wid * _CPW

        cp = pltpu.async_copy(x_hbm.at[:, pl.ds(base, _CPW)], x_v, sem)
        zeros = jnp.zeros((_NL,), jnp.float32)
        lane = lax.iota(jnp.int32, _NL)
        ones = jnp.ones((_NL,), jnp.float32)
        crows = _CPW // nch

        @plsc.parallel_loop(0, hwords // _NL, unroll=8)
        def zero_body(t):
            c = t >> 3
            o = (t & 7) * _NL
            hist_v[c, pl.ds(o, _NL)] = zeros

        cp.wait()

        copies = []
        for ch in range(nch):
            @plsc.parallel_loop(0, gpc * _ROWS, unroll=8)
            def scatter_body(t, _ch=ch):
                g = _ch * gpc + (t % gpc)
                i = t // gpc
                vals = x_v[i, pl.ds(g * _NL, _NL)]
                plsc.addupdate_scatter(hist_v, [g * _NL + lane, vals], ones)

            copies.append(pltpu.async_copy(
                hist_v.at[pl.ds(ch * crows, crows), :],
                out_hbm.at[pl.ds(base + ch * crows, crows), :],
                sem,
            ))
        for cp2 in copies:
            cp2.wait()

    return hist_kernel


_HIST_KERNEL = None


def kernel(x, table):
    del table
    global _HIST_KERNEL
    if _HIST_KERNEL is None:
        _HIST_KERNEL = _make_sc_kernel()
    return _HIST_KERNEL(x.astype(jnp.int32))

# --- scband reference (transcript-rebuilt; emitter-appended) ---
"""Pipeline reference for scband-bo-wencoder-19954418057389 (READ-ONLY COPY).

The authoritative reference and input builder live on the scoring server;
editing this copy changes nothing except your own understanding.
"""

import jax, jax.numpy as jnp
import numpy as np

EMBED_DIM = 128
VOCAB_SIZE = 128

def setup_inputs(seed: int = 0) -> dict:
    key = jax.random.key(seed)
    x = jax.random.randint(key, (50, 16384), 0, VOCAB_SIZE, dtype=jnp.int64) if jax.config.jax_enable_x64 else jax.random.randint(key, (50, 16384), 0, VOCAB_SIZE, dtype=jnp.int32)
    # frozen embedding table initialized to identity, per the torch module
    table = jnp.eye(EMBED_DIM, dtype=jnp.float32)  # [vocab_size, embed_dim], vocab_size == embed_dim
    return {"x": x, "table": table}

def reference(x, table):
    # one_hot_embeddings = self.bow_model(x): gather rows -> [50, 16384, 128]
    one_hot_embeddings = jnp.take(table, x, axis=0)
    # .sum(0): reduce over leading (sequence) dim -> [16384, 128]
    return one_hot_embeddings.sum(0)

if __name__ == "__main__":
    import jax
    _d = setup_inputs()
    print(jax.jit(kernel)(*tuple(_d.values())))

</pallas_src>

<mosaic_0001>
#map = affine_map<(d0, d1) -> (0, 0)>
module attributes {stable_mosaic.version = 14 : i64} {
  func.func @hist_kernel(%arg0: i32, %arg1: i32, %arg2: memref<50x16384xi32, #tpu.memory_space<hbm>>, %arg3: memref<16384x128xf32, #tpu.memory_space<hbm>>, %arg4: memref<50x512xi32, #tpu.memory_space<vmem>>, %arg5: memref<512x128xf32, #tpu.memory_space<vmem>>, %arg6: memref<!tpu.dma_semaphore, #tpu.memory_space<semaphore_mem>>) attributes {dimension_semantics = [#tpu.dimension_semantics<core_parallel>, #tpu.dimension_semantics<subcore_parallel>], iteration_bounds = array<i64: 2, 16>, scalar_prefetch = 0 : i64, scratch_operands = 3 : i64, tpu.core_type = #tpu.core_type<sc_vector_subcore>, window_params = [{transform_indices = #map}, {transform_indices = #map}]} {
    %mul3A = arith.constant 2 : i32
    %mul3A_0 = arith.muli %arg1, %mul3A : i32
    %add3A = arith.addi %mul3A_0, %arg0 : i32
    %mul3A_1 = arith.constant 512 : i32
    %mul3A_2 = arith.muli %add3A, %mul3A_1 : i32
    %dma_start3A = arith.constant 0 : i32
    %dma_start3A_3 = tpu.memref_slice %arg2[%dma_start3A, %mul3A_2] : memref<50x16384xi32, #tpu.memory_space<hbm>> -> memref<50x512xi32, #tpu.memory_space<hbm>>
    %dma_start3A_4 = arith.constant 0 : i32
    %dma_start3A_5 = tpu.memref_slice %arg2[%dma_start3A_4, %mul3A_2] : memref<50x16384xi32, #tpu.memory_space<hbm>> -> memref<50x512xi32, #tpu.memory_space<hbm>>
    tpu.enqueue_dma source(%dma_start3A_5 : memref<50x512xi32, #tpu.memory_space<hbm>>) target(%arg4 : memref<50x512xi32, #tpu.memory_space<vmem>>) target_semaphore(%arg6 : memref<!tpu.dma_semaphore, #tpu.memory_space<semaphore_mem>>)
    %broadcast_in_dim3A = arith.constant 0.000000e+00 : f32
    %broadcast_in_dim3A_6 = vector.broadcast %broadcast_in_dim3A : f32 to vector<16xf32>
    %iota3A = tpu.iota {dimensions = array<i32: 0>} : vector<16xi32>
    %broadcast_in_dim3A_7 = arith.constant 1.000000e+00 : f32
    %broadcast_in_dim3A_8 = vector.broadcast %broadcast_in_dim3A_7 : f32 to vector<16xf32>
    %parallel_loop3A = arith.constant 0 : i32
    %parallel_loop3A_9 = arith.constant 4096 : i32
    %parallel_loop3A_10 = arith.constant 1 : i32
    scf.for %parallel_loop3A_114 = %parallel_loop3A to %parallel_loop3A_9 step %parallel_loop3A_10  : i32 {
      %parallel_loop3A_115 = arith.constant 3 : i32
      %parallel_loop3A_116 = arith.shrsi %parallel_loop3A_114, %parallel_loop3A_115 : i32
      %parallel_loop3A_117 = arith.constant 7 : i32
      %parallel_loop3A_118 = arith.andi %parallel_loop3A_114, %parallel_loop3A_117 : i32
      %parallel_loop3A_119 = arith.constant 16 : i32
      %parallel_loop3A_120 = arith.muli %parallel_loop3A_118, %parallel_loop3A_119 : i32
      %parallel_loop3A_121 = arith.index_cast %parallel_loop3A_116 : i32 to index
      %parallel_loop3A_122 = arith.index_cast %parallel_loop3A_120 : i32 to index
      %parallel_loop3A_123 = tpu.vector_load %arg5[%parallel_loop3A_121, %parallel_loop3A_122] {strides = array<i32>} : memref<512x128xf32, #tpu.memory_space<vmem>>, vector<16xf32>,
      tpu.vector_store %arg5[%parallel_loop3A_121, %parallel_loop3A_122], %broadcast_in_dim3A_6 {strides = array<i32>} : memref<512x128xf32, #tpu.memory_space<vmem>>, vector<16xf32>,
    } {sc.loop_unroll_factor = 8 : i64, sc.parallel_access}
    %dma_wait3A = arith.constant 0 : i32
    %dma_wait3A_11 = tpu.memref_slice %arg2[%dma_wait3A, %mul3A_2] : memref<50x16384xi32, #tpu.memory_space<hbm>> -> memref<50x512xi32, #tpu.memory_space<hbm>>
    %dma_wait3A_12 = arith.constant 0 : i32
    %dma_wait3A_13 = tpu.memref_slice %arg2[%dma_wait3A_12, %mul3A_2] : memref<50x16384xi32, #tpu.memory_space<hbm>> -> memref<50x512xi32, #tpu.memory_space<hbm>>
    tpu.wait_dma2 semaphore(%arg6 : memref<!tpu.dma_semaphore, #tpu.memory_space<semaphore_mem>>) src(%dma_wait3A_13 : memref<50x512xi32, #tpu.memory_space<hbm>>) dst(%arg4 : memref<50x512xi32, #tpu.memory_space<vmem>>)
    %parallel_loop3A_14 = arith.constant 0 : i32
    %parallel_loop3A_15 = arith.constant 400 : i32
    %parallel_loop3A_16 = arith.constant 1 : i32
    scf.for %parallel_loop3A_114 = %parallel_loop3A_14 to %parallel_loop3A_15 step %parallel_loop3A_16  : i32 {
      %parallel_loop3A_115 = arith.constant 8 : i32
      %parallel_loop3A_116 = arith.constant 0 : i32
      %parallel_loop3A_117 = arith.cmpi eq, %parallel_loop3A_115, %parallel_loop3A_116 : i32
      %parallel_loop3A_118 = arith.constant 1 : i32
      %parallel_loop3A_119 = arith.select %parallel_loop3A_117, %parallel_loop3A_118, %parallel_loop3A_115 : i32
      %parallel_loop3A_120 = arith.remsi %parallel_loop3A_114, %parallel_loop3A_119 : i32
      %parallel_loop3A_121 = arith.constant 0 : i32
      %parallel_loop3A_122 = arith.cmpi ne, %parallel_loop3A_120, %parallel_loop3A_121 : i32
      %parallel_loop3A_123 = arith.constant 0 : i32
      %parallel_loop3A_124 = arith.cmpi slt, %parallel_loop3A_120, %parallel_loop3A_123 : i32
      %parallel_loop3A_125 = arith.constant 0 : i32
      %parallel_loop3A_126 = arith.cmpi slt, %parallel_loop3A_119, %parallel_loop3A_125 : i32
      %parallel_loop3A_127 = arith.xori %parallel_loop3A_124, %parallel_loop3A_126 : i1
      %parallel_loop3A_128 = arith.andi %parallel_loop3A_127, %parallel_loop3A_122 : i1
      %parallel_loop3A_129 = arith.addi %parallel_loop3A_120, %parallel_loop3A_119 : i32
      %parallel_loop3A_130 = arith.select %parallel_loop3A_128, %parallel_loop3A_129, %parallel_loop3A_120 : i32
      %parallel_loop3A_131 = arith.constant 0 : i32
      %parallel_loop3A_132 = arith.addi %parallel_loop3A_131, %parallel_loop3A_130 : i32
      %parallel_loop3A_133 = arith.constant 8 : i32
      %parallel_loop3A_134 = arith.divsi %parallel_loop3A_114, %parallel_loop3A_133 : i32
      %parallel_loop3A_135 = arith.constant 0 : i32
      %parallel_loop3A_136 = arith.cmpi sgt, %parallel_loop3A_114, %parallel_loop3A_135 : i32
      %parallel_loop3A_137 = arith.extui %parallel_loop3A_136 : i1 to i32
      %parallel_loop3A_138 = arith.constant 0 : i32
      %parallel_loop3A_139 = arith.cmpi slt, %parallel_loop3A_114, %parallel_loop3A_138 : i32
      %parallel_loop3A_140 = arith.extui %parallel_loop3A_139 : i1 to i32
      %parallel_loop3A_141 = arith.subi %parallel_loop3A_137, %parallel_loop3A_140 : i32
      %parallel_loop3A_142 = arith.constant 0 : i32
      %parallel_loop3A_143 = arith.cmpi sgt, %parallel_loop3A_133, %parallel_loop3A_142 : i32
      %parallel_loop3A_144 = arith.extui %parallel_loop3A_143 : i1 to i32
      %parallel_loop3A_145 = arith.constant 0 : i32
      %parallel_loop3A_146 = arith.cmpi slt, %parallel_loop3A_133, %parallel_loop3A_145 : i32
      %parallel_loop3A_147 = arith.extui %parallel_loop3A_146 : i1 to i32
      %parallel_loop3A_148 = arith.subi %parallel_loop3A_144, %parallel_loop3A_147 : i32
      %parallel_loop3A_149 = arith.cmpi ne, %parallel_loop3A_141, %parallel_loop3A_148 : i32
      %parallel_loop3A_150 = arith.remsi %parallel_loop3A_114, %parallel_loop3A_133 : i32
      %parallel_loop3A_151 = arith.constant 0 : i32
      %parallel_loop3A_152 = arith.cmpi ne, %parallel_loop3A_150, %parallel_loop3A_151 : i32
      %parallel_loop3A_153 = arith.andi %parallel_loop3A_149, %parallel_loop3A_152 : i1
      %parallel_loop3A_154 = arith.constant 1 : i32
      %parallel_loop3A_155 = arith.subi %parallel_loop3A_134, %parallel_loop3A_154 : i32
      %parallel_loop3A_156 = arith.select %parallel_loop3A_153, %parallel_loop3A_155, %parallel_loop3A_134 : i32
      %parallel_loop3A_157 = arith.constant 16 : i32
      %parallel_loop3A_158 = arith.muli %parallel_loop3A_132, %parallel_loop3A_157 : i32
      %parallel_loop3A_159 = arith.index_cast %parallel_loop3A_156 : i32 to index
      %parallel_loop3A_160 = arith.index_cast %parallel_loop3A_158 : i32 to index
      %parallel_loop3A_161 = tpu.vector_load %arg4[%parallel_loop3A_159, %parallel_loop3A_160] {strides = array<i32>} : memref<50x512xi32, #tpu.memory_space<vmem>>, vector<16xi32>,
      %parallel_loop3A_162 = arith.constant 16 : i32
      %parallel_loop3A_163 = arith.muli %parallel_loop3A_132, %parallel_loop3A_162 : i32
      %parallel_loop3A_164 = vector.broadcast %parallel_loop3A_163 : i32 to vector<16xi32>
      %parallel_loop3A_165 = arith.addi %parallel_loop3A_164, %iota3A : vector<16xi32>
      tpu.vector_store_idx %arg5[%parallel_loop3A_165, %parallel_loop3A_161], %broadcast_in_dim3A_8 {add = true} : memref<512x128xf32, #tpu.memory_space<vmem>>[vector<16xi32>, vector<16xi32>], vector<16xf32>,
    } {sc.loop_unroll_factor = 8 : i64, sc.parallel_access}
    %add3A_17 = arith.constant 0 : i32
    %add3A_18 = arith.addi %mul3A_2, %add3A_17 : i32
    %dma_start3A_19 = arith.constant 0 : i32
    %dma_start3A_20 = arith.constant 0 : i32
    %dma_start3A_21 = tpu.memref_slice %arg5[%dma_start3A_19, %dma_start3A_20] : memref<512x128xf32, #tpu.memory_space<vmem>> -> memref<128x128xf32, #tpu.memory_space<vmem>>
    %dma_start3A_22 = arith.constant 0 : i32
    %dma_start3A_23 = tpu.memref_slice %arg3[%add3A_18, %dma_start3A_22] : memref<16384x128xf32, #tpu.memory_space<hbm>> -> memref<128x128xf32, #tpu.memory_space<hbm>>
    %dma_start3A_24 = arith.constant 0 : i32
    %dma_start3A_25 = tpu.memref_slice %arg3[%add3A_18, %dma_start3A_24] : memref<16384x128xf32, #tpu.memory_space<hbm>> -> memref<128x128xf32, #tpu.memory_space<hbm>>
    %dma_start3A_26 = arith.constant 0 : i32
    %dma_start3A_27 = arith.constant 0 : i32
    %dma_start3A_28 = tpu.memref_slice %arg5[%dma_start3A_26, %dma_start3A_27] : memref<512x128xf32, #tpu.memory_space<vmem>> -> memref<128x128xf32, #tpu.memory_space<vmem>>
    tpu.enqueue_dma source(%dma_start3A_28 : memref<128x128xf32, #tpu.memory_space<vmem>>) target(%dma_start3A_25 : memref<128x128xf32, #tpu.memory_space<hbm>>) target_semaphore(%arg6 : memref<!tpu.dma_semaphore, #tpu.memory_space<semaphore_mem>>)
    %parallel_loop3A_29 = arith.constant 0 : i32
    %parallel_loop3A_30 = arith.constant 400 : i32
    %parallel_loop3A_31 = arith.constant 1 : i32
    scf.for %parallel_loop3A_114 = %parallel_loop3A_29 to %parallel_loop3A_30 step %parallel_loop3A_31  : i32 {
      %parallel_loop3A_115 = arith.constant 8 : i32
      %parallel_loop3A_116 = arith.constant 0 : i32
      %parallel_loop3A_117 = arith.cmpi eq, %parallel_loop3A_115, %parallel_loop3A_116 : i32
      %parallel_loop3A_118 = arith.constant 1 : i32
      %parallel_loop3A_119 = arith.select %parallel_loop3A_117, %parallel_loop3A_118, %parallel_loop3A_115 : i32
      %parallel_loop3A_120 = arith.remsi %parallel_loop3A_114, %parallel_loop3A_119 : i32
      %parallel_loop3A_121 = arith.constant 0 : i32
      %parallel_loop3A_122 = arith.cmpi ne, %parallel_loop3A_120, %parallel_loop3A_121 : i32
      %parallel_loop3A_123 = arith.constant 0 : i32
      %parallel_loop3A_124 = arith.cmpi slt, %parallel_loop3A_120, %parallel_loop3A_123 : i32
      %parallel_loop3A_125 = arith.constant 0 : i32
      %parallel_loop3A_126 = arith.cmpi slt, %parallel_loop3A_119, %parallel_loop3A_125 : i32
      %parallel_loop3A_127 = arith.xori %parallel_loop3A_124, %parallel_loop3A_126 : i1
      %parallel_loop3A_128 = arith.andi %parallel_loop3A_127, %parallel_loop3A_122 : i1
      %parallel_loop3A_129 = arith.addi %parallel_loop3A_120, %parallel_loop3A_119 : i32
      %parallel_loop3A_130 = arith.select %parallel_loop3A_128, %parallel_loop3A_129, %parallel_loop3A_120 : i32
      %parallel_loop3A_131 = arith.constant 8 : i32
      %parallel_loop3A_132 = arith.addi %parallel_loop3A_131, %parallel_loop3A_130 : i32
      %parallel_loop3A_133 = arith.constant 8 : i32
      %parallel_loop3A_134 = arith.divsi %parallel_loop3A_114, %parallel_loop3A_133 : i32
      %parallel_loop3A_135 = arith.constant 0 : i32
      %parallel_loop3A_136 = arith.cmpi sgt, %parallel_loop3A_114, %parallel_loop3A_135 : i32
      %parallel_loop3A_137 = arith.extui %parallel_loop3A_136 : i1 to i32
      %parallel_loop3A_138 = arith.constant 0 : i32
      %parallel_loop3A_139 = arith.cmpi slt, %parallel_loop3A_114, %parallel_loop3A_138 : i32
      %parallel_loop3A_140 = arith.extui %parallel_loop3A_139 : i1 to i32
      %parallel_loop3A_141 = arith.subi %parallel_loop3A_137, %parallel_loop3A_140 : i32
      %parallel_loop3A_142 = arith.constant 0 : i32
      %parallel_loop3A_143 = arith.cmpi sgt, %parallel_loop3A_133, %parallel_loop3A_142 : i32
      %parallel_loop3A_144 = arith.extui %parallel_loop3A_143 : i1 to i32
      %parallel_loop3A_145 = arith.constant 0 : i32
      %parallel_loop3A_146 = arith.cmpi slt, %parallel_loop3A_133, %parallel_loop3A_145 : i32
      %parallel_loop3A_147 = arith.extui %parallel_loop3A_146 : i1 to i32
      %parallel_loop3A_148 = arith.subi %parallel_loop3A_144, %parallel_loop3A_147 : i32
      %parallel_loop3A_149 = arith.cmpi ne, %parallel_loop3A_141, %parallel_loop3A_148 : i32
      %parallel_loop3A_150 = arith.remsi %parallel_loop3A_114, %parallel_loop3A_133 : i32
      %parallel_loop3A_151 = arith.constant 0 : i32
      %parallel_loop3A_152 = arith.cmpi ne, %parallel_loop3A_150, %parallel_loop3A_151 : i32
      %parallel_loop3A_153 = arith.andi %parallel_loop3A_149, %parallel_loop3A_152 : i1
      %parallel_loop3A_154 = arith.constant 1 : i32
      %parallel_loop3A_155 = arith.subi %parallel_loop3A_134, %parallel_loop3A_154 : i32
      %parallel_loop3A_156 = arith.select %parallel_loop3A_153, %parallel_loop3A_155, %parallel_loop3A_134 : i32
      %parallel_loop3A_157 = arith.constant 16 : i32
      %parallel_loop3A_158 = arith.muli %parallel_loop3A_132, %parallel_loop3A_157 : i32
      %parallel_loop3A_159 = arith.index_cast %parallel_loop3A_156 : i32 to index
      %parallel_loop3A_160 = arith.index_cast %parallel_loop3A_158 : i32 to index
      %parallel_loop3A_161 = tpu.vector_load %arg4[%parallel_loop3A_159, %parallel_loop3A_160] {strides = array<i32>} : memref<50x512xi32, #tpu.memory_space<vmem>>, vector<16xi32>,
      %parallel_loop3A_162 = arith.constant 16 : i32
      %parallel_loop3A_163 = arith.muli %parallel_loop3A_132, %parallel_loop3A_162 : i32
      %parallel_loop3A_164 = vector.broadcast %parallel_loop3A_163 : i32 to vector<16xi32>
      %parallel_loop3A_165 = arith.addi %parallel_loop3A_164, %iota3A : vector<16xi32>
      tpu.vector_store_idx %arg5[%parallel_loop3A_165, %parallel_loop3A_161], %broadcast_in_dim3A_8 {add = true} : memref<512x128xf32, #tpu.memory_space<vmem>>[vector<16xi32>, vector<16xi32>], vector<16xf32>,
    } {sc.loop_unroll_factor = 8 : i64, sc.parallel_access}
    %add3A_32 = arith.constant 128 : i32
    %add3A_33 = arith.addi %mul3A_2, %add3A_32 : i32
    %dma_start3A_34 = arith.constant 128 : i32
    %dma_start3A_35 = arith.constant 0 : i32
    %dma_start3A_36 = tpu.memref_slice %arg5[%dma_start3A_34, %dma_start3A_35] : memref<512x128xf32, #tpu.memory_space<vmem>> -> memref<128x128xf32, #tpu.memory_space<vmem>>
    %dma_start3A_37 = arith.constant 0 : i32
    %dma_start3A_38 = tpu.memref_slice %arg3[%add3A_33, %dma_start3A_37] : memref<16384x128xf32, #tpu.memory_space<hbm>> -> memref<128x128xf32, #tpu.memory_space<hbm>>
    %dma_start3A_39 = arith.constant 0 : i32
    %dma_start3A_40 = tpu.memref_slice %arg3[%add3A_33, %dma_start3A_39] : memref<16384x128xf32, #tpu.memory_space<hbm>> -> memref<128x128xf32, #tpu.memory_space<hbm>>
    %dma_start3A_41 = arith.constant 128 : i32
    %dma_start3A_42 = arith.constant 0 : i32
    %dma_start3A_43 = tpu.memref_slice %arg5[%dma_start3A_41, %dma_start3A_42] : memref<512x128xf32, #tpu.memory_space<vmem>> -> memref<128x128xf32, #tpu.memory_space<vmem>>
    tpu.enqueue_dma source(%dma_start3A_43 : memref<128x128xf32, #tpu.memory_space<vmem>>) target(%dma_start3A_40 : memref<128x128xf32, #tpu.memory_space<hbm>>) target_semaphore(%arg6 : memref<!tpu.dma_semaphore, #tpu.memory_space<semaphore_mem>>)
    %parallel_loop3A_44 = arith.constant 0 : i32
    %parallel_loop3A_45 = arith.constant 400 : i32
    %parallel_loop3A_46 = arith.constant 1 : i32
    scf.for %parallel_loop3A_114 = %parallel_loop3A_44 to %parallel_loop3A_45 step %parallel_loop3A_46  : i32 {
      %parallel_loop3A_115 = arith.constant 8 : i32
      %parallel_loop3A_116 = arith.constant 0 : i32
      %parallel_loop3A_117 = arith.cmpi eq, %parallel_loop3A_115, %parallel_loop3A_116 : i32
      %parallel_loop3A_118 = arith.constant 1 : i32
      %parallel_loop3A_119 = arith.select %parallel_loop3A_117, %parallel_loop3A_118, %parallel_loop3A_115 : i32
      %parallel_loop3A_120 = arith.remsi %parallel_loop3A_114, %parallel_loop3A_119 : i32
      %parallel_loop3A_121 = arith.constant 0 : i32
      %parallel_loop3A_122 = arith.cmpi ne, %parallel_loop3A_120, %parallel_loop3A_121 : i32
      %parallel_loop3A_123 = arith.constant 0 : i32
      %parallel_loop3A_124 = arith.cmpi slt, %parallel_loop3A_120, %parallel_loop3A_123 : i32
      %parallel_loop3A_125 = arith.constant 0 : i32
      %parallel_loop3A_126 = arith.cmpi slt, %parallel_loop3A_119, %parallel_loop3A_125 : i32
      %parallel_loop3A_127 = arith.xori %parallel_loop3A_124, %parallel_loop3A_126 : i1
      %parallel_loop3A_128 = arith.andi %parallel_loop3A_127, %parallel_loop3A_122 : i1
      %parallel_loop3A_129 = arith.addi %parallel_loop3A_120, %parallel_loop3A_119 : i32
      %parallel_loop3A_130 = arith.select %parallel_loop3A_128, %parallel_loop3A_129, %parallel_loop3A_120 : i32
      %parallel_loop3A_131 = arith.constant 16 : i32
      %parallel_loop3A_132 = arith.addi %parallel_loop3A_131, %parallel_loop3A_130 : i32
      %parallel_loop3A_133 = arith.constant 8 : i32
      %parallel_loop3A_134 = arith.divsi %parallel_loop3A_114, %parallel_loop3A_133 : i32
      %parallel_loop3A_135 = arith.constant 0 : i32
      %parallel_loop3A_136 = arith.cmpi sgt, %parallel_loop3A_114, %parallel_loop3A_135 : i32
      %parallel_loop3A_137 = arith.extui %parallel_loop3A_136 : i1 to i32
      %parallel_loop3A_138 = arith.constant 0 : i32
      %parallel_loop3A_139 = arith.cmpi slt, %parallel_loop3A_114, %parallel_loop3A_138 : i32
      %parallel_loop3A_140 = arith.extui %parallel_loop3A_139 : i1 to i32
      %parallel_loop3A_141 = arith.subi %parallel_loop3A_137, %parallel_loop3A_140 : i32
      %parallel_loop3A_142 = arith.constant 0 : i32
      %parallel_loop3A_143 = arith.cmpi sgt, %parallel_loop3A_133, %parallel_loop3A_142 : i32
      %parallel_loop3A_144 = arith.extui %parallel_loop3A_143 : i1 to i32
      %parallel_loop3A_145 = arith.constant 0 : i32
      %parallel_loop3A_146 = arith.cmpi slt, %parallel_loop3A_133, %parallel_loop3A_145 : i32
      %parallel_loop3A_147 = arith.extui %parallel_loop3A_146 : i1 to i32
      %parallel_loop3A_148 = arith.subi %parallel_loop3A_144, %parallel_loop3A_147 : i32
      %parallel_loop3A_149 = arith.cmpi ne, %parallel_loop3A_141, %parallel_loop3A_148 : i32
      %parallel_loop3A_150 = arith.remsi %parallel_loop3A_114, %parallel_loop3A_133 : i32
      %parallel_loop3A_151 = arith.constant 0 : i32
      %parallel_loop3A_152 = arith.cmpi ne, %parallel_loop3A_150, %parallel_loop3A_151 : i32
      %parallel_loop3A_153 = arith.andi %parallel_loop3A_149, %parallel_loop3A_152 : i1
      %parallel_loop3A_154 = arith.constant 1 : i32
      %parallel_loop3A_155 = arith.subi %parallel_loop3A_134, %parallel_loop3A_154 : i32
      %parallel_loop3A_156 = arith.select %parallel_loop3A_153, %parallel_loop3A_155, %parallel_loop3A_134 : i32
      %parallel_loop3A_157 = arith.constant 16 : i32
      %parallel_loop3A_158 = arith.muli %parallel_loop3A_132, %parallel_loop3A_157 : i32
      %parallel_loop3A_159 = arith.index_cast %parallel_loop3A_156 : i32 to index
      %parallel_loop3A_160 = arith.index_cast %parallel_loop3A_158 : i32 to index
      %parallel_loop3A_161 = tpu.vector_load %arg4[%parallel_loop3A_159, %parallel_loop3A_160] {strides = array<i32>} : memref<50x512xi32, #tpu.memory_space<vmem>>, vector<16xi32>,
      %parallel_loop3A_162 = arith.constant 16 : i32
      %parallel_loop3A_163 = arith.muli %parallel_loop3A_132, %parallel_loop3A_162 : i32
      %parallel_loop3A_164 = vector.broadcast %parallel_loop3A_163 : i32 to vector<16xi32>
      %parallel_loop3A_165 = arith.addi %parallel_loop3A_164, %iota3A : vector<16xi32>
      tpu.vector_store_idx %arg5[%parallel_loop3A_165, %parallel_loop3A_161], %broadcast_in_dim3A_8 {add = true} : memref<512x128xf32, #tpu.memory_space<vmem>>[vector<16xi32>, vector<16xi32>], vector<16xf32>,
    } {sc.loop_unroll_factor = 8 : i64, sc.parallel_access}
    %add3A_47 = arith.constant 256 : i32
    %add3A_48 = arith.addi %mul3A_2, %add3A_47 : i32
    %dma_start3A_49 = arith.constant 256 : i32
    %dma_start3A_50 = arith.constant 0 : i32
    %dma_start3A_51 = tpu.memref_slice %arg5[%dma_start3A_49, %dma_start3A_50] : memref<512x128xf32, #tpu.memory_space<vmem>> -> memref<128x128xf32, #tpu.memory_space<vmem>>
    %dma_start3A_52 = arith.constant 0 : i32
    %dma_start3A_53 = tpu.memref_slice %arg3[%add3A_48, %dma_start3A_52] : memref<16384x128xf32, #tpu.memory_space<hbm>> -> memref<128x128xf32, #tpu.memory_space<hbm>>
    %dma_start3A_54 = arith.constant 0 : i32
    %dma_start3A_55 = tpu.memref_slice %arg3[%add3A_48, %dma_start3A_54] : memref<16384x128xf32, #tpu.memory_space<hbm>> -> memref<128x128xf32, #tpu.memory_space<hbm>>
    %dma_start3A_56 = arith.constant 256 : i32
    %dma_start3A_57 = arith.constant 0 : i32
    %dma_start3A_58 = tpu.memref_slice %arg5[%dma_start3A_56, %dma_start3A_57] : memref<512x128xf32, #tpu.memory_space<vmem>> -> memref<128x128xf32, #tpu.memory_space<vmem>>
    tpu.enqueue_dma source(%dma_start3A_58 : memref<128x128xf32, #tpu.memory_space<vmem>>) target(%dma_start3A_55 : memref<128x128xf32, #tpu.memory_space<hbm>>) target_semaphore(%arg6 : memref<!tpu.dma_semaphore, #tpu.memory_space<semaphore_mem>>)
    %parallel_loop3A_59 = arith.constant 0 : i32
    %parallel_loop3A_60 = arith.constant 400 : i32
    %parallel_loop3A_61 = arith.constant 1 : i32
    scf.for %parallel_loop3A_114 = %parallel_loop3A_59 to %parallel_loop3A_60 step %parallel_loop3A_61  : i32 {
      %parallel_loop3A_115 = arith.constant 8 : i32
      %parallel_loop3A_116 = arith.constant 0 : i32
      %parallel_loop3A_117 = arith.cmpi eq, %parallel_loop3A_115, %parallel_loop3A_116 : i32
      %parallel_loop3A_118 = arith.constant 1 : i32
      %parallel_loop3A_119 = arith.select %parallel_loop3A_117, %parallel_loop3A_118, %parallel_loop3A_115 : i32
      %parallel_loop3A_120 = arith.remsi %parallel_loop3A_114, %parallel_loop3A_119 : i32
      %parallel_loop3A_121 = arith.constant 0 : i32
      %parallel_loop3A_122 = arith.cmpi ne, %parallel_loop3A_120, %parallel_loop3A_121 : i32
      %parallel_loop3A_123 = arith.constant 0 : i32
      %parallel_loop3A_124 = arith.cmpi slt, %parallel_loop3A_120, %parallel_loop3A_123 : i32
      %parallel_loop3A_125 = arith.constant 0 : i32
      %parallel_loop3A_126 = arith.cmpi slt, %parallel_loop3A_119, %parallel_loop3A_125 : i32
      %parallel_loop3A_127 = arith.xori %parallel_loop3A_124, %parallel_loop3A_126 : i1
      %parallel_loop3A_128 = arith.andi %parallel_loop3A_127, %parallel_loop3A_122 : i1
      %parallel_loop3A_129 = arith.addi %parallel_loop3A_120, %parallel_loop3A_119 : i32
      %parallel_loop3A_130 = arith.select %parallel_loop3A_128, %parallel_loop3A_129, %parallel_loop3A_120 : i32
      %parallel_loop3A_131 = arith.constant 24 : i32
      %parallel_loop3A_132 = arith.addi %parallel_loop3A_131, %parallel_loop3A_130 : i32
      %parallel_loop3A_133 = arith.constant 8 : i32
      %parallel_loop3A_134 = arith.divsi %parallel_loop3A_114, %parallel_loop3A_133 : i32
      %parallel_loop3A_135 = arith.constant 0 : i32
      %parallel_loop3A_136 = arith.cmpi sgt, %parallel_loop3A_114, %parallel_loop3A_135 : i32
      %parallel_loop3A_137 = arith.extui %parallel_loop3A_136 : i1 to i32
      %parallel_loop3A_138 = arith.constant 0 : i32
      %parallel_loop3A_139 = arith.cmpi slt, %parallel_loop3A_114, %parallel_loop3A_138 : i32
      %parallel_loop3A_140 = arith.extui %parallel_loop3A_139 : i1 to i32
      %parallel_loop3A_141 = arith.subi %parallel_loop3A_137, %parallel_loop3A_140 : i32
      %parallel_loop3A_142 = arith.constant 0 : i32
      %parallel_loop3A_143 = arith.cmpi sgt, %parallel_loop3A_133, %parallel_loop3A_142 : i32
      %parallel_loop3A_144 = arith.extui %parallel_loop3A_143 : i1 to i32
      %parallel_loop3A_145 = arith.constant 0 : i32
      %parallel_loop3A_146 = arith.cmpi slt, %parallel_loop3A_133, %parallel_loop3A_145 : i32
      %parallel_loop3A_147 = arith.extui %parallel_loop3A_146 : i1 to i32
      %parallel_loop3A_148 = arith.subi %parallel_loop3A_144, %parallel_loop3A_147 : i32
      %parallel_loop3A_149 = arith.cmpi ne, %parallel_loop3A_141, %parallel_loop3A_148 : i32
      %parallel_loop3A_150 = arith.remsi %parallel_loop3A_114, %parallel_loop3A_133 : i32
      %parallel_loop3A_151 = arith.constant 0 : i32
      %parallel_loop3A_152 = arith.cmpi ne, %parallel_loop3A_150, %parallel_loop3A_151 : i32
      %parallel_loop3A_153 = arith.andi %parallel_loop3A_149, %parallel_loop3A_152 : i1
      %parallel_loop3A_154 = arith.constant 1 : i32
      %parallel_loop3A_155 = arith.subi %parallel_loop3A_134, %parallel_loop3A_154 : i32
      %parallel_loop3A_156 = arith.select %parallel_loop3A_153, %parallel_loop3A_155, %parallel_loop3A_134 : i32
      %parallel_loop3A_157 = arith.constant 16 : i32
      %parallel_loop3A_158 = arith.muli %parallel_loop3A_132, %parallel_loop3A_157 : i32
      %parallel_loop3A_159 = arith.index_cast %parallel_loop3A_156 : i32 to index
      %parallel_loop3A_160 = arith.index_cast %parallel_loop3A_158 : i32 to index
      %parallel_loop3A_161 = tpu.vector_load %arg4[%parallel_loop3A_159, %parallel_loop3A_160] {strides = array<i32>} : memref<50x512xi32, #tpu.memory_space<vmem>>, vector<16xi32>,
      %parallel_loop3A_162 = arith.constant 16 : i32
      %parallel_loop3A_163 = arith.muli %parallel_loop3A_132, %parallel_loop3A_162 : i32
      %parallel_loop3A_164 = vector.broadcast %parallel_loop3A_163 : i32 to vector<16xi32>
      %parallel_loop3A_165 = arith.addi %parallel_loop3A_164, %iota3A : vector<16xi32>
      tpu.vector_store_idx %arg5[%parallel_loop3A_165, %parallel_loop3A_161], %broadcast_in_dim3A_8 {add = true} : memref<512x128xf32, #tpu.memory_space<vmem>>[vector<16xi32>, vector<16xi32>], vector<16xf32>,
    } {sc.loop_unroll_factor = 8 : i64, sc.parallel_access}
    %add3A_62 = arith.constant 384 : i32
    %add3A_63 = arith.addi %mul3A_2, %add3A_62 : i32
    %dma_start3A_64 = arith.constant 384 : i32
    %dma_start3A_65 = arith.constant 0 : i32
    %dma_start3A_66 = tpu.memref_slice %arg5[%dma_start3A_64, %dma_start3A_65] : memref<512x128xf32, #tpu.memory_space<vmem>> -> memref<128x128xf32, #tpu.memory_space<vmem>>
    %dma_start3A_67 = arith.constant 0 : i32
    %dma_start3A_68 = tpu.memref_slice %arg3[%add3A_63, %dma_start3A_67] : memref<16384x128xf32, #tpu.memory_space<hbm>> -> memref<128x128xf32, #tpu.memory_space<hbm>>
    %dma_start3A_69 = arith.constant 0 : i32
    %dma_start3A_70 = tpu.memref_slice %arg3[%add3A_63, %dma_start3A_69] : memref<16384x128xf32, #tpu.memory_space<hbm>> -> memref<128x128xf32, #tpu.memory_space<hbm>>
    %dma_start3A_71 = arith.constant 384 : i32
    %dma_start3A_72 = arith.constant 0 : i32
    %dma_start3A_73 = tpu.memref_slice %arg5[%dma_start3A_71, %dma_start3A_72] : memref<512x128xf32, #tpu.memory_space<vmem>> -> memref<128x128xf32, #tpu.memory_space<vmem>>
    tpu.enqueue_dma source(%dma_start3A_73 : memref<128x128xf32, #tpu.memory_space<vmem>>) target(%dma_start3A_70 : memref<128x128xf32, #tpu.memory_space<hbm>>) target_semaphore(%arg6 : memref<!tpu.dma_semaphore, #tpu.memory_space<semaphore_mem>>)
    %dma_wait3A_74 = arith.constant 0 : i32
    %dma_wait3A_75 = arith.constant 0 : i32
    %dma_wait3A_76 = tpu.memref_slice %arg5[%dma_wait3A_74, %dma_wait3A_75] : memref<512x128xf32, #tpu.memory_space<vmem>> -> memref<128x128xf32, #tpu.memory_space<vmem>>
    %dma_wait3A_77 = arith.constant 0 : i32
    %dma_wait3A_78 = tpu.memref_slice %arg3[%add3A_18, %dma_wait3A_77] : memref<16384x128xf32, #tpu.memory_space<hbm>> -> memref<128x128xf32, #tpu.memory_space<hbm>>
    %dma_wait3A_79 = arith.constant 0 : i32
    %dma_wait3A_80 = tpu.memref_slice %arg3[%add3A_18, %dma_wait3A_79] : memref<16384x128xf32, #tpu.memory_space<hbm>> -> memref<128x128xf32, #tpu.memory_space<hbm>>
    %dma_wait3A_81 = arith.constant 0 : i32
    %dma_wait3A_82 = arith.constant 0 : i32
    %dma_wait3A_83 = tpu.memref_slice %arg5[%dma_wait3A_81, %dma_wait3A_82] : memref<512x128xf32, #tpu.memory_space<vmem>> -> memref<128x128xf32, #tpu.memory_space<vmem>>
    tpu.wait_dma2 semaphore(%arg6 : memref<!tpu.dma_semaphore, #tpu.memory_space<semaphore_mem>>) src(%dma_wait3A_83 : memref<128x128xf32, #tpu.memory_space<vmem>>) dst(%dma_wait3A_80 : memref<128x128xf32, #tpu.memory_space<hbm>>)
    %dma_wait3A_84 = arith.constant 128 : i32
    %dma_wait3A_85 = arith.constant 0 : i32
    %dma_wait3A_86 = tpu.memref_slice %arg5[%dma_wait3A_84, %dma_wait3A_85] : memref<512x128xf32, #tpu.memory_space<vmem>> -> memref<128x128xf32, #tpu.memory_space<vmem>>
    %dma_wait3A_87 = arith.constant 0 : i32
    %dma_wait3A_88 = tpu.memref_slice %arg3[%add3A_33, %dma_wait3A_87] : memref<16384x128xf32, #tpu.memory_space<hbm>> -> memref<128x128xf32, #tpu.memory_space<hbm>>
    %dma_wait3A_89 = arith.constant 0 : i32
    %dma_wait3A_90 = tpu.memref_slice %arg3[%add3A_33, %dma_wait3A_89] : memref<16384x128xf32, #tpu.memory_space<hbm>> -> memref<128x128xf32, #tpu.memory_space<hbm>>
    %dma_wait3A_91 = arith.constant 128 : i32
    %dma_wait3A_92 = arith.constant 0 : i32
    %dma_wait3A_93 = tpu.memref_slice %arg5[%dma_wait3A_91, %dma_wait3A_92] : memref<512x128xf32, #tpu.memory_space<vmem>> -> memref<128x128xf32, #tpu.memory_space<vmem>>
    tpu.wait_dma2 semaphore(%arg6 : memref<!tpu.dma_semaphore, #tpu.memory_space<semaphore_mem>>) src(%dma_wait3A_93 : memref<128x128xf32, #tpu.memory_space<vmem>>) dst(%dma_wait3A_90 : memref<128x128xf32, #tpu.memory_space<hbm>>)
    %dma_wait3A_94 = arith.constant 256 : i32
    %dma_wait3A_95 = arith.constant 0 : i32
    %dma_wait3A_96 = tpu.memref_slice %arg5[%dma_wait3A_94, %dma_wait3A_95] : memref<512x128xf32, #tpu.memory_space<vmem>> -> memref<128x128xf32, #tpu.memory_space<vmem>>
    %dma_wait3A_97 = arith.constant 0 : i32
    %dma_wait3A_98 = tpu.memref_slice %arg3[%add3A_48, %dma_wait3A_97] : memref<16384x128xf32, #tpu.memory_space<hbm>> -> memref<128x128xf32, #tpu.memory_space<hbm>>
    %dma_wait3A_99 = arith.constant 0 : i32
    %dma_wait3A_100 = tpu.memref_slice %arg3[%add3A_48, %dma_wait3A_99] : memref<16384x128xf32, #tpu.memory_space<hbm>> -> memref<128x128xf32, #tpu.memory_space<hbm>>
    %dma_wait3A_101 = arith.constant 256 : i32
    %dma_wait3A_102 = arith.constant 0 : i32
    %dma_wait3A_103 = tpu.memref_slice %arg5[%dma_wait3A_101, %dma_wait3A_102] : memref<512x128xf32, #tpu.memory_space<vmem>> -> memref<128x128xf32, #tpu.memory_space<vmem>>
    tpu.wait_dma2 semaphore(%arg6 : memref<!tpu.dma_semaphore, #tpu.memory_space<semaphore_mem>>) src(%dma_wait3A_103 : memref<128x128xf32, #tpu.memory_space<vmem>>) dst(%dma_wait3A_100 : memref<128x128xf32, #tpu.memory_space<hbm>>)
    %dma_wait3A_104 = arith.constant 384 : i32
    %dma_wait3A_105 = arith.constant 0 : i32
    %dma_wait3A_106 = tpu.memref_slice %arg5[%dma_wait3A_104, %dma_wait3A_105] : memref<512x128xf32, #tpu.memory_space<vmem>> -> memref<128x128xf32, #tpu.memory_space<vmem>>
    %dma_wait3A_107 = arith.constant 0 : i32
    %dma_wait3A_108 = tpu.memref_slice %arg3[%add3A_63, %dma_wait3A_107] : memref<16384x128xf32, #tpu.memory_space<hbm>> -> memref<128x128xf32, #tpu.memory_space<hbm>>
    %dma_wait3A_109 = arith.constant 0 : i32
    %dma_wait3A_110 = tpu.memref_slice %arg3[%add3A_63, %dma_wait3A_109] : memref<16384x128xf32, #tpu.memory_space<hbm>> -> memref<128x128xf32, #tpu.memory_space<hbm>>
    %dma_wait3A_111 = arith.constant 384 : i32
    %dma_wait3A_112 = arith.constant 0 : i32
    %dma_wait3A_113 = tpu.memref_slice %arg5[%dma_wait3A_111, %dma_wait3A_112] : memref<512x128xf32, #tpu.memory_space<vmem>> -> memref<128x128xf32, #tpu.memory_space<vmem>>
    tpu.wait_dma2 semaphore(%arg6 : memref<!tpu.dma_semaphore, #tpu.memory_space<semaphore_mem>>) src(%dma_wait3A_113 : memref<128x128xf32, #tpu.memory_space<vmem>>) dst(%dma_wait3A_110 : memref<128x128xf32, #tpu.memory_space<hbm>>)
    return
  }
}

</mosaic_0001>

<sc_bundles>
// kernel: kernel.3.cloned.1.call-start
scs
__scs_entry_jumppad:
0x0: {  	(pc) =	sbr.rel $0x88, $3  }
0x1: {  	(tag) =	ssettag $0x0;
	lr =	simm.s32 $0x1  }
0x2: {  	[smem:$0x3FA0] =	sst lr;
	_ =	strace $0xD0000000  }
0x3: {  	_ = 	snop  }
0x4: {  	_ = 	snop  }
0x5: {  	_ = 	snop  }
0x6: {  	_ = 	snop  }
0x7: {  	_ = 	snop  }
__scs_overlays_trampoline_lowered:
0x8: {  	[smem:$0x3FAF] =	sst s0  }
0x9: {  	[smem:$0x3FB0] =	sst s1  }
0xa: {  	[smem:$0x3FB1] =	sst s2  }
0xb: {  	[smem:$0x3FB2] =	sst s3  }
0xc: {  	[smem:$0x3FB3] =	sst s4  }
0xd: {  	[smem:$0x3FB4] =	sst s5  }
0xe: {  	[smem:$0x3FB5] =	sst s6  }
0xf: {  	[smem:$0x3FB6] =	sst s7  }
0x10: {  	[smem:$0x3FB7] =	sst s8  }
0x11: {  	[smem:$0x3FB8] =	sst s9;
	s0 =	simm.s32 @!p0 $0x0  }
0x12: {  	s1 =	sld [smem:$0x3F9E];
	s0 =	simm.s32 @p0 $0x1  }
0x13: {  	[smem:$0x3FB9] =	sst s0;
	s0 =	simm.s32 @!p1 $0x0  }
0x14: {  	s2 =	sld [smem:$0x3F9D];
	s0 =	simm.s32 @p1 $0x1  }
0x15: {  	[smem:$0x3FBA] =	sst s0;
	s0 =	simm.s32 @!p2 $0x0  }
0x16: {  	s3 =	sld [smem:$0x3FDB];
	s0 =	simm.s32 @p2 $0x1  }
0x17: {  	s4 =	simm.s32 $0x1BF5;
	[smem:$0x3FBC] =	sst s0  }
0x18: {  	s0 =	sld [smem:$0x3F9F];
	_ =	swait.ge [sflag:s4], $0x0  }
0x19: {  	s7 =	sld [smem:$0x3FA0]  }
0x1a: {  	s8 =	sadd.s32 $0xFFFFE003, lr  }
0x1b: {  	s9 =	sadd.s32 $0xFFFFFEF7, lr;
	s5 =	simm.s32 $0xFFFFFFFF;
	p2 =	slt.u32 s8, $0xFFFFF086  }
0x1c: {  	p1 =	slt.u32 s9, $0xF7A;
	s5 =	simm.s32 @!p2 $0x0  }
0x1d: {  	s5 =	simm.s32 @p1 $0x1;
	p0 =	seq.s32 s7, s2  }
0x1e: {  	s7 =	smul.u32 @!p0 $0xF7A, s2;
	p2 =	seq.s32 @!p0 s5, $0x0  }
0x1f: {  	s9 =	smul.u32 $0xF7A, s1;
	s8 =	simm.s32 @!p0 $0x1BF5;
	p2 =	por !p2, p0  }
0x20: {  	[sflag:s8] =	ssyncset.s32 @!p0 $0xFFFFF086;
	s6 =	sadd.s32 @!p0 s3, s7;
	s7 =	simm.s32 @!p0 $0x108  }
0x21: {  	s3 =	sadd.s32 s3, s9;
	s6 =	sadd.s32 @!p0 $0x88, s6;
	s7 =	simm.s32 @p2 $0x1082  }
0x22: {  	[simem:s7], [sflag:s8] =	dma.local @!p0 [hbm:s6], $0xF7A  }
0x23: {  	s9 =	sor.u32 $0xD0000000, s2;
	s6 =	simm.s32 $0x108;
	_ =	swait.ge @!p0 [sflag:s8], $0x0  }
0x24: {  	s3 =	sadd.s32 $0x88, s3;
	s6 =	simm.s32 @!p1 $0x1082;
	[sflag:s4] =	ssyncset.s32 $0xFFFFF086  }
0x25: {  	[simem:s6], [sflag:s4] =	dma.local [hbm:s3], $0xF7A  }
0x26: {  	[smem:$0x3FA0] =	sst s1;
	(tag) =	ssettag s2;
	_ =	strace s9  }
0x27: {  	s1 =	sld [smem:$0x3FB0]  }
0x28: {  	s2 =	sld [smem:$0x3FB1]  }
0x29: {  	s4 =	sld [smem:$0x3FB3]  }
0x2a: {  	p0 =	seq.s32 s5, $0x0;
	s5 =	sld [smem:$0x3FB4]  }
0x2b: {  	s6 =	sld [smem:$0x3FB5]  }
0x2c: {  	s7 =	sld [smem:$0x3FB6]  }
0x2d: {  	s3 =	simm.s32 $0x108;
	s8 =	sld [smem:$0x3FB7]  }
0x2e: {  	s3 =	simm.s32 @!p0 $0x1082;
	s9 =	sld [smem:$0x3FB8]  }
0x2f: {  	lr =	sadd.s32 s0, s3;
	s0 =	sld [smem:$0x3FAF]  }
0x30: {  	s3 =	sld [smem:$0x3FB2]  }
0x31: {  	[smem:$0x3FBB] =	sst s10  }
0x32: {  	s10 =	sld [smem:$0x3FB9];
	_ =	sdelay $0x3  }
0x33: {  	p0 =	seq.s32 s10, $0x1;
	s10 =	sld [smem:$0x3FBB];
	_ =	sdelay $0x3  }
0x34: {  	[smem:$0x3FBB] =	sst s10  }
0x35: {  	s10 =	sld [smem:$0x3FBA];
	_ =	sdelay $0x3  }
0x36: {  	p1 =	seq.s32 s10, $0x1;
	s10 =	sld [smem:$0x3FBB];
	_ =	sdelay $0x3  }
0x37: {  	[smem:$0x3FBB] =	sst s10  }
0x38: {  	s10 =	sld [smem:$0x3FBC]  }
0x39: {  	_ = 	snop;
	(pc) =	sbr.ind lr, $3  }
0x3a: {  	_ = 	snop  }
0x3b: {  	_ = 	snop  }
0x3c: {  	p2 =	seq.s32 s10, $0x1;
	s10 =	sld [smem:$0x3FBB]  }
0x3d: {  	_ =	shalt  }
0x3e: {  	_ =	shalt  }
0x3f: {  	_ =	shalt  }
0x40: {  	_ =	shalt  }
0x41: {  	_ =	shalt  }
0x42: {  	_ =	shalt  }
0x43: {  	_ =	shalt  }
0x44: {  	_ =	shalt  }
0x45: {  	_ =	shalt  }
0x46: {  	_ =	shalt  }
0x47: {  	_ =	shalt  }
0x48: {  	_ =	shalt  }
0x49: {  	_ =	shalt  }
0x4a: {  	_ =	shalt  }
0x4b: {  	_ =	shalt  }
0x4c: {  	_ =	shalt  }
0x4d: {  	_ =	shalt  }
0x4e: {  	_ =	shalt  }
0x4f: {  	_ =	shalt  }
0x50: {  	_ =	shalt  }
0x51: {  	_ =	shalt  }
0x52: {  	_ =	shalt  }
0x53: {  	_ =	shalt  }
0x54: {  	_ =	shalt  }
0x55: {  	_ =	shalt  }
0x56: {  	_ =	shalt  }
0x57: {  	_ =	shalt  }
0x58: {  	_ =	shalt  }
0x59: {  	_ =	shalt  }
0x5a: {  	_ =	shalt  }
0x5b: {  	_ =	shalt  }
0x5c: {  	_ =	shalt  }
0x5d: {  	_ =	shalt  }
0x5e: {  	_ =	shalt  }
0x5f: {  	_ =	shalt  }
0x60: {  	_ =	shalt  }
0x61: {  	_ =	shalt  }
0x62: {  	_ =	shalt  }
0x63: {  	_ =	shalt  }
0x64: {  	_ =	shalt  }
0x65: {  	_ =	shalt  }
0x66: {  	_ =	shalt  }
0x67: {  	_ =	shalt  }
0x68: {  	_ =	shalt  }
0x69: {  	_ =	shalt  }
0x6a: {  	_ =	shalt  }
0x6b: {  	_ =	shalt  }
0x6c: {  	_ =	shalt  }
0x6d: {  	_ =	shalt  }
0x6e: {  	_ =	shalt  }
0x6f: {  	_ =	shalt  }
0x70: {  	_ =	shalt  }
0x71: {  	_ =	shalt  }
0x72: {  	_ =	shalt  }
0x73: {  	_ =	shalt  }
0x74: {  	_ =	shalt  }
0x75: {  	_ =	shalt  }
0x76: {  	_ =	shalt  }
0x77: {  	_ =	shalt  }
0x78: {  	_ =	shalt  }
0x79: {  	_ =	shalt  }
0x7a: {  	_ =	shalt  }
0x7b: {  	_ =	shalt  }
0x7c: {  	_ =	shalt  }
0x7d: {  	_ =	shalt  }
0x7e: {  	_ =	shalt  }
0x7f: {  	_ =	shalt  }
0x80: {  	_ =	shalt  }
0x81: {  	_ =	shalt  }
0x82: {  	_ =	shalt  }
0x83: {  	_ =	shalt  }
0x84: {  	_ =	shalt  }
0x85: {  	_ =	shalt  }
0x86: {  	_ =	shalt  }
0x87: {  	_ =	shalt  }
.Lfunc_end0:
.L_simem_size_0:
called_computation_lowered:
.L_overlay_start_0:
0x88: {  	s2 =	sld [smem:$0x3FD9]  }
0x89: {  	s3 =	sld [smem:$0x3FFE];
	_ =	sdelay $0x1  }
0x8a: {  	s1 =	srdreg.scid  }
0x8b: {  	s0 =	sand.u32 $0x1, s1  }
0x8c: {  	s18 =	sshll.u32 s0, $0xA;
	s2 =	sadd.s32 s3, s2  }
0x8d: {  	s2 =	sadd.s32 s2, s18  }
0x8e: {  	[smem:$0x3FC7] =	sst s2  }
0x8f: {  	_ = 	snop  }
0x90: {  	s2 =	sld [smem:$0x3FC9]  }
0x91: {  	s19 =	sld [smem:$0x3FD0];
	(tm) =	ssettm $0x1  }
0x92: {  	s4 =	sld [smem:$0x3FFB];
	_ =	sdelay $0x3  }
0x93: {  	_ =	strace s4  }
0x94: {  	s4 =	sld [smem:$0x3FFC];
	_ =	sdelay $0x3  }
0x95: {  	_ =	strace s4  }
0x96: {  	s4 =	sld [smem:$0x3FFD];
	_ =	sdelay $0x3  }
0x97: {  	_ =	strace s4  }
0x98: {  	_ =	strace $0x8FFFFFFF  }
0x99: {  	s20 =	sld [smem:$0x3FDB];
	_ =	sdelay $0x1  }
0x9a: {  	s5 =	simm.s32 $_scs_section_size  }
0x9b: {  	s6 =	simm.s32 $_size__tile_overlayer_lowered;
	s7 =	simm.s32 $_tile_overlayer_lowered  }
0x9c: {  	s23 =	simm.s32 $0x1BFF;
	s22 =	sshll.u32 s7, $0x1;
	s4 =	sadd.s32 s5, s20  }
0x9d: {  	s8 =	simm.s32 $0x0;
	s21 =	sshll.u32 s6, $0x1;
	s6 =	sadd.s32 s22, s4  }
0x9e: {  	[timem:s8], [sflag:s23] =	dma.local [hbm:s6], s21  }
0x9f: {  	_ =	swait.ge [sflag:s23], s21  }
0xa0: {  	s5 =	ssub.s32 $0x0, s21;
	[sflag:s23] =	ssyncset.done $0x0  }
0xa1: {  	[sflag:s23] =	ssyncadd.s32 s5;
	_ =	sdelay $0x1  }
0xa2: {  	s24 =	simm.s32 $0x1B8B  }
0xa3: {  	_ =	swait.ge [sflag:s24], $0x1  }
0xa4: {  	[sflag:s24] =	ssyncset.done $0x0  }
0xa5: {  	s25 =	simm.s32 $0x1B8E;
	[sflag:s24] =	ssyncadd.s32 $0xFFFFFFFF  }
0xa6: {  	s26 =	simm.s32 $execute0_lowered;
	[smem:$0x3FD2] =	sst s25  }
0xa7: {  	s5 =	sshll.u32 s26, $0x1;
	_ =	strace $0x80000046;
	[dreg:$0x1] =	wrdreg $0xFFFFFFFF  }
0xa8: {  	s28 =	simm.s32 $_size_execute0_lowered;
	s4 =	sadd.s32 s4, s5;
	[dreg:$0x0] =	wrdreg $0x0  }
0xa9: {  	s5 =	sshll.u32 s28, $0x1;
	[dreg:$0x2] =	wrdreg s4  }
0xaa: {  	[dreg:$0x3] =	wrdreg s5  }
0xab: {  	[dreg:$0x4] =	wrdreg $0xC0  }
0xac: {  	_ =	task [dreg:s8], $0x5FFFF  }
0xad: {  	[dreg:$0x1] =	wrdreg $0xFFFFFFFF  }
0xae: {  	[dreg:$0x0] =	wrdreg $0x60  }
0xaf: {  	[dreg:$0x2] =	wrdreg s2  }
0xb0: {  	[dreg:$0x3] =	wrdreg s19  }
0xb1: {  	[dreg:$0x4] =	wrdreg $0x9  }
0xb2: {  	_ =	task.clear_ibuf [dreg:s8], $0x5FFFF;
	_ =	strace $0x90000046  }
0xb3: {  	s29 =	simm.s32 $0x9;
	_ =	strace $0x80000048  }
0xb4: {  	_ =	swait.ge [sflag:s29], $0x1  }
0xb5: {  	[sflag:s29] =	ssyncadd.s32 $0xFFFFFFFF  }
0xb6: {  	_ =	strace $0x90000048  }
0xb7: {  	_ =	sfence  }
0xb8: {  	s30 =	sld [smem:$0x0];
	_ =	sdelay $0x2  }
0xb9: {  	s31 =	sshll.u32 s1, $0xD;
	s1 =	sshrl.u32 s1, $0x2  }
0xba: {  	s3 =	sand.u32 $0x4000, s31;
	s1 =	sadd.s32 s1, s30  }
0xbb: {  	s0 =	sor.u32 s3, s0;
	s1 =	sshll.u32 s1, $0x11  }
0xbc: {  	s0 =	sor.u32 s1, s0  }
0xbd: {  	s0 =	sadd.s32 $0x8F2B, s0  }
0xbe: {  	[sflag:s0] =	ssyncadd.remote.s32 $0x1  }
0xbf: {  	_ =	sfence.sel $0xFFFF  }
0xc0: {  	[dreg:$0x0] =	wrdreg $0xFFFFFFFF;
	(pc) =	sbr.abs _section_cstart, $3  }
0xc1: {  	[dreg:$0x1] =	wrdreg $0xFFFFFFFF  }
0xc2: {  	_ =	task.clear_ibuf [dreg:s8], $0x2FFFF;
	_ =	strace $0x9FFFFFFF  }
0xc3: {  	(tm) =	ssettm $0x7FFFFFFF  }
tec
execute0_lowered:
.L_overlay_start_1:
0x0: {  	(tag) =	ssettag $0x1  }
0x1: {  	v0 =	vlaneseq.u32  }
0x2: {  	v0 =	vmul.u32 $0x80, v0;
	_ =	sdelay $0x1  }
0x3: {  	s3 =	rddreg [dreg:$0x0];
	v1 =	vimm.f32 $0.0e+00;
	v2 =	vimm.f32 $1.000000000e+00;
	v3 =	vor.u32 $0x800, v0  }
0x4: {  	s4 =	rddreg [dreg:$0x1];
	s2 =	srdreg.scid;
	v4 =	vor.u32 $0x1000, v0;
	v5 =	vor.u32 $0x1800, v0;
	v6 =	vor.u32 $0x2000, v0  }
0x5: {  	s0 =	rddreg [dreg:$0x2];
	s1 =	stileid.u32;
	s10 =	simm.s32 $0x20000;
	v7 =	vor.u32 $0x2800, v0;
	v8 =	vor.u32 $0x3000, v0;
	v9 =	vor.u32 $0x3800, v0  }
0x6: {  	s11 =	simm.s32 $0x1;
	s12 =	simm.s32 $0x7000;
	s13 =	simm.s32 $0xB000;
	v10 =	vor.u32 $0x4000, v0;
	v11 =	vor.u32 $0x4800, v0;
	v12 =	vor.u32 $0x5000, v0  }
0x7: {  	s14 =	simm.s32 $0xF000;
	s15 =	simm.s32 $0x13000;
	s16 =	simm.s32 $0x0;
	v13 =	vor.u32 $0x5800, v0;
	v14 =	vor.u32 $0x6000, v0;
	v15 =	vor.u32 $0x6800, v0  }
0x8: {  	s5 =	sand.u32 $0x1, s2;
	s2 =	simm.s32 $0x0;
	s6 =	sshll.u32 s1, $0xA;
	v16 =	vor.u32 $0x7000, v0;
	v17 =	vor.u32 $0x7800, v0;
	v18 =	vor.u32 $0x8000, v0  }
0x9: {  	s7 =	sshll.u32 s5, $0x9;
	[smem:$0x7FF] =	sst s2;
	s5 =	ssub.s32 $0x2, s5;
	v19 =	vor.u32 $0x8800, v0;
	v20 =	vor.u32 $0x9000, v0;
	v21 =	vor.u32 $0x9800, v0  }
0xa: {  	s6 =	sor.u32 s7, s6;
	_ =	strace $0x80000047;
	s31 =	sshrl.u32 s5, $0x1;
	v22 =	vor.u32 $0xA000, v0;
	v23 =	vor.u32 $0xA800, v0;
	v24 =	vor.u32 $0xB000, v0  }
0xb: {  	v25 =	vor.u32 $0xB800, v0;
	v26 =	vor.u32 $0xC000, v0;
	v27 =	vor.u32 $0xC800, v0;
	s8 =	sshll.u32 s6, $0x4;
	s9 =	ssub.s32 s5, s31;
	s3 =	sadd.s32 s3, s6  }
0xc: {  	v28 =	vor.u32 $0xD000, v0;
	v29 =	vor.u32 $0xD800, v0;
	v30 =	vor.u32 $0xE000, v0;
	s4 =	sadd.s32 s4, s8;
	s8 =	smax.u32 s9, $0x1;
	s9 =	simm.s32 $0x1000  }
0xd: {  	v31 =	vor.u32 $0xE800, v0;
	v32 =	vor.u32 $0xF000, v0;
	v33 =	vor.u32 $0xF800, v0;
	s5 =	sadd.s32 $0x800, s4;
	s6 =	sadd.s32 $0x1000, s4;
	s7 =	sadd.s32 $0x1800, s4  }
.LBB2_1:
0xe: {  	[tilespmem:s2], [sflag:$0x1] =	stream.strided.gather [hbm4b:s3+s9], $0x7000, s10, s9, $0x38;
	[tilespmem:$0x17000] =	vst v63  }
0xf: {  	s17 =	simm.s32 $0x7040  }
0x10: {  	[tilespmem:s17+$0xFFFFFFC0] =	vst v1  }
0x11: {  	[tilespmem:s17+$0x30] =	vst v1  }
0x12: {  	[tilespmem:s17+$0x20] =	vst v1  }
0x13: {  	[tilespmem:s17+$0x10] =	vst v1  }
0x14: {  	[tilespmem:s17+$0x0] =	vst v1  }
0x15: {  	[tilespmem:s17+$0xFFFFFFF0] =	vst v1  }
0x16: {  	s18 =	simm.s32 $0x0;
	[tilespmem:s17+$0xFFFFFFE0] =	vst v1  }
.LBB2_2:
0x17: {  	s18 =	sadd.s32 $0x8, s18;
	[tilespmem:s17+$0xFFFFFFD0] =	vst v1;
	s17 =	sadd.s32 $0x80, s17  }
0x18: {  	[tilespmem:s17+$0xFFFFFFC0] =	vst v1;
	p0 =	slt.u32 s18, $0xFF8  }
0x19: {  	[tilespmem:s17+$0x30] =	vst v1  }
.Ltmp0:
0x1a: {  	[tilespmem:s17+$0x20] =	vst v1;
	(pc) =	sbr.rel @p0 .LBB2_2-.Ltmp0, $4  }
0x1b: {  	[tilespmem:s17+$0x10] =	vst v1  }
0x1c: {  	[tilespmem:s17+$0x0] =	vst v1  }
0x1d: {  	[tilespmem:s17+$0xFFFFFFF0] =	vst v1  }
0x1e: {  	[tilespmem:s17+$0xFFFFFFE0] =	vst v1  }
0x1f: {  	[tilespmem:s17+$0xFFFFFFD0] =	vst v1  }
0x20: {  	s31 =	simm.s32 $0x0;
	_ =	swait.ge [sflag:s11], $0x7000  }
0x21: {  	s18 =	sand.u32 $0x7000, s31;
	s17 =	sand.u32 $0x380, s31;
	[sflag:s11] =	ssyncset.done $0x0  }
0x22: {  	s17 =	sor.u32 s17, s18;
	[sflag:s11] =	ssyncadd.s32 $0xFFFF9000  }
0x23: {  	v34 =	vld [tilespmem:s17+$0x70]  }
0x24: {  	v35 =	vld [tilespmem:s17+$0x0]  }
0x25: {  	v36 =	vld [tilespmem:s17+$0x10]  }
0x26: {  	v37 =	vld [tilespmem:s17+$0x20]  }
0x27: {  	v38 =	vld [tilespmem:s17+$0x30]  }
0x28: {  	v39 =	vld [tilespmem:s17+$0x40];
	v34 =	vadd.s32 v9, v34  }
0x29: {  	v35 =	vadd.s32 v0, v35  }
0x2a: {  	v40 =	vld [tilespmem:s17+$0x50];
	v41 =	vadd.s32 v3, v36  }
0x2b: {  	v42 =	vld [tilespmem:s17+$0x60];
	v43 =	vadd.s32 v4, v37  }
0x2c: {  	v37 =	vadd.s32 v5, v38  }
0x2d: {  	v36 =	vadd.s32 v6, v39;
	[tilespmem:v34+s12+$0x0] =	vst.idx.add.f32.msk $0xffff, v2  }
0x2e: {  	[tilespmem:v35+s12+$0x0] =	vst.idx.add.f32.msk $0xffff, v2  }
0x2f: {  	[tilespmem:v41+s12+$0x0] =	vst.idx.add.f32.msk $0xffff, v2  }
0x30: {  	s19 =	simm.s32 $0x200;
	s18 =	simm.s32 $0x80;
	s17 =	simm.s32 $0x0;
	v34 =	vadd.s32 v7, v40;
	v35 =	vadd.s32 v8, v42;
	[tilespmem:v43+s12+$0x0] =	vst.idx.add.f32.msk $0xffff, v2  }
.LBB2_4:
0x31: {  	s20 =	sand.u32 $0x7000, s19;
	s21 =	sand.u32 $0x380, s18;
	s17 =	sadd.s32 $0x8, s17;
	[tilespmem:v37+s12+$0x0] =	vst.idx.add.f32.msk $0xffff, v2  }
0x32: {  	s20 =	sor.u32 s21, s20;
	p0 =	slt.u32 s17, $0x188;
	[tilespmem:v36+s12+$0x0] =	vst.idx.add.f32.msk $0xffff, v2  }
0x33: {  	v36 =	vld [tilespmem:s20+$0x70]  }
0x34: {  	v37 =	vld [tilespmem:s20+$0x0]  }
0x35: {  	v38 =	vld [tilespmem:s20+$0x10]  }
0x36: {  	v39 =	vld [tilespmem:s20+$0x20]  }
0x37: {  	v40 =	vld [tilespmem:s20+$0x30]  }
0x38: {  	v41 =	vld [tilespmem:s20+$0x40];
	v42 =	vadd.s32 v9, v36  }
0x39: {  	v43 =	vadd.s32 v0, v37;
	v44 =	vld [tilespmem:s20+$0x50]  }
0x3a: {  	v38 =	vadd.s32 v3, v38;
	v45 =	vld [tilespmem:s20+$0x60]  }
0x3b: {  	v39 =	vadd.s32 v4, v39;
	[tilespmem:v34+s12+$0x0] =	vst.idx.add.f32.msk $0xffff, v2  }
.Ltmp1:
0x3c: {  	v37 =	vadd.s32 v5, v40;
	[tilespmem:v35+s12+$0x0] =	vst.idx.add.f32.msk $0xffff, v2;
	(pc) =	sbr.rel @p0 .LBB2_4-.Ltmp1, $4  }
0x3d: {  	v36 =	vadd.s32 v6, v41;
	[tilespmem:v42+s12+$0x0] =	vst.idx.add.f32.msk $0xffff, v2  }
0x3e: {  	[tilespmem:v43+s12+$0x0] =	vst.idx.add.f32.msk $0xffff, v2;
	v34 =	vadd.s32 v7, v44  }
0x3f: {  	[tilespmem:v38+s12+$0x0] =	vst.idx.add.f32.msk $0xffff, v2;
	v35 =	vadd.s32 v8, v45  }
0x40: {  	s18 =	sadd.s32 $0x80, s18;
	s19 =	sadd.s32 $0x200, s19;
	[tilespmem:v39+s12+$0x0] =	vst.idx.add.f32.msk $0xffff, v2  }
0x41: {  	_ =	sdelay $0x3  }
0x42: {  	[tilespmem:v37+s12+$0x0] =	vst.idx.add.f32.msk $0xffff, v2  }
0x43: {  	[tilespmem:v36+s12+$0x0] =	vst.idx.add.f32.msk $0xffff, v2  }
0x44: {  	[tilespmem:v34+s12+$0x0] =	vst.idx.add.f32.msk $0xffff, v2  }
0x45: {  	[tilespmem:v35+s12+$0x0] =	vst.idx.add.f32.msk $0xffff, v2;
	s17 =	simm.s32 $0x0  }
0x46: {  	[hbm4b:s4+s17] =	stream.linear.scatter [tilespmem:s12], [sflag:$0x1], $0x4000, $0x38;
	[tilespmem:$0x17000] =	vst v63  }
0x47: {  	s18 =	sand.u32 $0x7000, s17;
	s17 =	sand.u32 $0x380, s17  }
0x48: {  	s17 =	sor.u32 s17, s18  }
0x49: {  	v34 =	vld [tilespmem:s17+$0x470]  }
0x4a: {  	v35 =	vld [tilespmem:s17+$0x400]  }
0x4b: {  	v36 =	vld [tilespmem:s17+$0x410]  }
0x4c: {  	v37 =	vld [tilespmem:s17+$0x420]  }
0x4d: {  	v38 =	vld [tilespmem:s17+$0x430]  }
0x4e: {  	v39 =	vld [tilespmem:s17+$0x440];
	v34 =	vadd.s32 v17, v34  }
0x4f: {  	v35 =	vadd.s32 v10, v35  }
0x50: {  	v40 =	vld [tilespmem:s17+$0x450];
	v41 =	vadd.s32 v11, v36  }
0x51: {  	v42 =	vld [tilespmem:s17+$0x460];
	v43 =	vadd.s32 v12, v37  }
0x52: {  	v37 =	vadd.s32 v13, v38  }
0x53: {  	v36 =	vadd.s32 v14, v39;
	[tilespmem:v34+s12+$0x0] =	vst.idx.add.f32.msk $0xffff, v2  }
0x54: {  	[tilespmem:v35+s12+$0x0] =	vst.idx.add.f32.msk $0xffff, v2  }
0x55: {  	[tilespmem:v41+s12+$0x0] =	vst.idx.add.f32.msk $0xffff, v2  }
0x56: {  	s19 =	simm.s32 $0x200;
	s18 =	simm.s32 $0x80;
	s17 =	simm.s32 $0x0;
	v34 =	vadd.s32 v15, v40;
	v35 =	vadd.s32 v16, v42;
	[tilespmem:v43+s12+$0x0] =	vst.idx.add.f32.msk $0xffff, v2  }
.LBB2_6:
0x57: {  	s20 =	sand.u32 $0x7000, s19;
	s21 =	sand.u32 $0x380, s18;
	s17 =	sadd.s32 $0x8, s17;
	[tilespmem:v37+s12+$0x0] =	vst.idx.add.f32.msk $0xffff, v2  }
0x58: {  	s20 =	sor.u32 s21, s20;
	p0 =	slt.u32 s17, $0x188;
	[tilespmem:v36+s12+$0x0] =	vst.idx.add.f32.msk $0xffff, v2  }
0x59: {  	v36 =	vld [tilespmem:s20+$0x470]  }
0x5a: {  	v37 =	vld [tilespmem:s20+$0x400]  }
0x5b: {  	v38 =	vld [tilespmem:s20+$0x410]  }
0x5c: {  	v39 =	vld [tilespmem:s20+$0x420]  }
0x5d: {  	v40 =	vld [tilespmem:s20+$0x430]  }
0x5e: {  	v41 =	vld [tilespmem:s20+$0x440];
	v42 =	vadd.s32 v17, v36  }
0x5f: {  	v43 =	vadd.s32 v10, v37;
	v44 =	vld [tilespmem:s20+$0x450]  }
0x60: {  	v38 =	vadd.s32 v11, v38;
	v45 =	vld [tilespmem:s20+$0x460]  }
0x61: {  	v39 =	vadd.s32 v12, v39;
	[tilespmem:v34+s12+$0x0] =	vst.idx.add.f32.msk $0xffff, v2  }
.Ltmp2:
0x62: {  	v37 =	vadd.s32 v13, v40;
	[tilespmem:v35+s12+$0x0] =	vst.idx.add.f32.msk $0xffff, v2;
	(pc) =	sbr.rel @p0 .LBB2_6-.Ltmp2, $4  }
0x63: {  	v36 =	vadd.s32 v14, v41;
	[tilespmem:v42+s12+$0x0] =	vst.idx.add.f32.msk $0xffff, v2  }
0x64: {  	[tilespmem:v43+s12+$0x0] =	vst.idx.add.f32.msk $0xffff, v2;
	v34 =	vadd.s32 v15, v44  }
0x65: {  	[tilespmem:v38+s12+$0x0] =	vst.idx.add.f32.msk $0xffff, v2;
	v35 =	vadd.s32 v16, v45  }
0x66: {  	s18 =	sadd.s32 $0x80, s18;
	s19 =	sadd.s32 $0x200, s19;
	[tilespmem:v39+s12+$0x0] =	vst.idx.add.f32.msk $0xffff, v2  }
0x67: {  	_ =	sdelay $0x3  }
0x68: {  	[tilespmem:v37+s12+$0x0] =	vst.idx.add.f32.msk $0xffff, v2  }
0x69: {  	[tilespmem:v36+s12+$0x0] =	vst.idx.add.f32.msk $0xffff, v2  }
0x6a: {  	[tilespmem:v34+s12+$0x0] =	vst.idx.add.f32.msk $0xffff, v2  }
0x6b: {  	[tilespmem:v35+s12+$0x0] =	vst.idx.add.f32.msk $0xffff, v2;
	s17 =	simm.s32 $0x0  }
0x6c: {  	[hbm4b:s5+s17] =	stream.linear.scatter [tilespmem:s13], [sflag:$0x1], $0x4000, $0x38;
	[tilespmem:$0x17000] =	vst v63  }
0x6d: {  	s18 =	sand.u32 $0x7000, s17;
	s17 =	sand.u32 $0x380, s17  }
0x6e: {  	s17 =	sor.u32 s17, s18  }
0x6f: {  	v34 =	vld [tilespmem:s17+$0x870]  }
0x70: {  	v35 =	vld [tilespmem:s17+$0x800]  }
0x71: {  	v36 =	vld [tilespmem:s17+$0x810]  }
0x72: {  	v37 =	vld [tilespmem:s17+$0x820]  }
0x73: {  	v38 =	vld [tilespmem:s17+$0x830]  }
0x74: {  	v39 =	vld [tilespmem:s17+$0x840];
	v34 =	vadd.s32 v25, v34  }
0x75: {  	v35 =	vadd.s32 v18, v35  }
0x76: {  	v40 =	vld [tilespmem:s17+$0x850];
	v41 =	vadd.s32 v19, v36  }
0x77: {  	v42 =	vld [tilespmem:s17+$0x860];
	v43 =	vadd.s32 v20, v37  }
0x78: {  	v37 =	vadd.s32 v21, v38  }
0x79: {  	v36 =	vadd.s32 v22, v39;
	[tilespmem:v34+s12+$0x0] =	vst.idx.add.f32.msk $0xffff, v2  }
0x7a: {  	[tilespmem:v35+s12+$0x0] =	vst.idx.add.f32.msk $0xffff, v2  }
0x7b: {  	[tilespmem:v41+s12+$0x0] =	vst.idx.add.f32.msk $0xffff, v2  }
0x7c: {  	s19 =	simm.s32 $0x200;
	s18 =	simm.s32 $0x80;
	s17 =	simm.s32 $0x0;
	v34 =	vadd.s32 v23, v40;
	v35 =	vadd.s32 v24, v42;
	[tilespmem:v43+s12+$0x0] =	vst.idx.add.f32.msk $0xffff, v2  }
.LBB2_8:
0x7d: {  	s20 =	sand.u32 $0x7000, s19;
	s21 =	sand.u32 $0x380, s18;
	s17 =	sadd.s32 $0x8, s17;
	[tilespmem:v37+s12+$0x0] =	vst.idx.add.f32.msk $0xffff, v2  }
0x7e: {  	s20 =	sor.u32 s21, s20;
	p0 =	slt.u32 s17, $0x188;
	[tilespmem:v36+s12+$0x0] =	vst.idx.add.f32.msk $0xffff, v2  }
0x7f: {  	v36 =	vld [tilespmem:s20+$0x870]  }
0x80: {  	v37 =	vld [tilespmem:s20+$0x800]  }
0x81: {  	v38 =	vld [tilespmem:s20+$0x810]  }
0x82: {  	v39 =	vld [tilespmem:s20+$0x820]  }
0x83: {  	v40 =	vld [tilespmem:s20+$0x830]  }
0x84: {  	v41 =	vld [tilespmem:s20+$0x840];
	v42 =	vadd.s32 v25, v36  }
0x85: {  	v43 =	vadd.s32 v18, v37;
	v44 =	vld [tilespmem:s20+$0x850]  }
0x86: {  	v38 =	vadd.s32 v19, v38;
	v45 =	vld [tilespmem:s20+$0x860]  }
0x87: {  	v39 =	vadd.s32 v20, v39;
	[tilespmem:v34+s12+$0x0] =	vst.idx.add.f32.msk $0xffff, v2  }
.Ltmp3:
0x88: {  	v37 =	vadd.s32 v21, v40;
	[tilespmem:v35+s12+$0x0] =	vst.idx.add.f32.msk $0xffff, v2;
	(pc) =	sbr.rel @p0 .LBB2_8-.Ltmp3, $4  }
0x89: {  	v36 =	vadd.s32 v22, v41;
	[tilespmem:v42+s12+$0x0] =	vst.idx.add.f32.msk $0xffff, v2  }
0x8a: {  	[tilespmem:v43+s12+$0x0] =	vst.idx.add.f32.msk $0xffff, v2;
	v34 =	vadd.s32 v23, v44  }
0x8b: {  	[tilespmem:v38+s12+$0x0] =	vst.idx.add.f32.msk $0xffff, v2;
	v35 =	vadd.s32 v24, v45  }
0x8c: {  	s18 =	sadd.s32 $0x80, s18;
	s19 =	sadd.s32 $0x200, s19;
	[tilespmem:v39+s12+$0x0] =	vst.idx.add.f32.msk $0xffff, v2  }
0x8d: {  	_ =	sdelay $0x3  }
0x8e: {  	[tilespmem:v37+s12+$0x0] =	vst.idx.add.f32.msk $0xffff, v2  }
0x8f: {  	[tilespmem:v36+s12+$0x0] =	vst.idx.add.f32.msk $0xffff, v2  }
0x90: {  	[tilespmem:v34+s12+$0x0] =	vst.idx.add.f32.msk $0xffff, v2  }
0x91: {  	[tilespmem:v35+s12+$0x0] =	vst.idx.add.f32.msk $0xffff, v2;
	s17 =	simm.s32 $0x0  }
0x92: {  	[hbm4b:s6+s17] =	stream.linear.scatter [tilespmem:s14], [sflag:$0x1], $0x4000, $0x38;
	[tilespmem:$0x17000] =	vst v63  }
0x93: {  	s18 =	sand.u32 $0x7000, s17;
	s17 =	sand.u32 $0x380, s17  }
0x94: {  	s17 =	sor.u32 s17, s18  }
0x95: {  	v34 =	vld [tilespmem:s17+$0xC70]  }
0x96: {  	v35 =	vld [tilespmem:s17+$0xC00]  }
0x97: {  	v36 =	vld [tilespmem:s17+$0xC10]  }
0x98: {  	v37 =	vld [tilespmem:s17+$0xC20]  }
0x99: {  	v38 =	vld [tilespmem:s17+$0xC30]  }
0x9a: {  	v39 =	vld [tilespmem:s17+$0xC40];
	v34 =	vadd.s32 v33, v34  }
0x9b: {  	v35 =	vadd.s32 v26, v35  }
0x9c: {  	v40 =	vld [tilespmem:s17+$0xC50];
	v41 =	vadd.s32 v27, v36  }
0x9d: {  	v42 =	vld [tilespmem:s17+$0xC60];
	v43 =	vadd.s32 v28, v37  }
0x9e: {  	v37 =	vadd.s32 v29, v38  }
0x9f: {  	v36 =	vadd.s32 v30, v39;
	[tilespmem:v34+s12+$0x0] =	vst.idx.add.f32.msk $0xffff, v2  }
0xa0: {  	[tilespmem:v35+s12+$0x0] =	vst.idx.add.f32.msk $0xffff, v2  }
0xa1: {  	[tilespmem:v41+s12+$0x0] =	vst.idx.add.f32.msk $0xffff, v2  }
0xa2: {  	s19 =	simm.s32 $0x200;
	s18 =	simm.s32 $0x80;
	s17 =	simm.s32 $0x0;
	v34 =	vadd.s32 v31, v40;
	v35 =	vadd.s32 v32, v42;
	[tilespmem:v43+s12+$0x0] =	vst.idx.add.f32.msk $0xffff, v2  }
.LBB2_10:
0xa3: {  	s20 =	sand.u32 $0x7000, s19;
	s21 =	sand.u32 $0x380, s18;
	s17 =	sadd.s32 $0x8, s17;
	[tilespmem:v37+s12+$0x0] =	vst.idx.add.f32.msk $0xffff, v2  }
0xa4: {  	s20 =	sor.u32 s21, s20;
	p0 =	slt.u32 s17, $0x188;
	[tilespmem:v36+s12+$0x0] =	vst.idx.add.f32.msk $0xffff, v2  }
0xa5: {  	v36 =	vld [tilespmem:s20+$0xC70]  }
0xa6: {  	v37 =	vld [tilespmem:s20+$0xC00]  }
0xa7: {  	v38 =	vld [tilespmem:s20+$0xC10]  }
0xa8: {  	v39 =	vld [tilespmem:s20+$0xC20]  }
0xa9: {  	v40 =	vld [tilespmem:s20+$0xC30]  }
0xaa: {  	v41 =	vld [tilespmem:s20+$0xC40];
	v42 =	vadd.s32 v33, v36  }
0xab: {  	v43 =	vadd.s32 v26, v37;
	v44 =	vld [tilespmem:s20+$0xC50]  }
0xac: {  	v38 =	vadd.s32 v27, v38;
	v45 =	vld [tilespmem:s20+$0xC60]  }
0xad: {  	v39 =	vadd.s32 v28, v39;
	[tilespmem:v34+s12+$0x0] =	vst.idx.add.f32.msk $0xffff, v2  }
.Ltmp4:
0xae: {  	v37 =	vadd.s32 v29, v40;
	[tilespmem:v35+s12+$0x0] =	vst.idx.add.f32.msk $0xffff, v2;
	(pc) =	sbr.rel @p0 .LBB2_10-.Ltmp4, $4  }
0xaf: {  	v36 =	vadd.s32 v30, v41;
	[tilespmem:v42+s12+$0x0] =	vst.idx.add.f32.msk $0xffff, v2  }
0xb0: {  	[tilespmem:v43+s12+$0x0] =	vst.idx.add.f32.msk $0xffff, v2;
	v34 =	vadd.s32 v31, v44  }
0xb1: {  	[tilespmem:v38+s12+$0x0] =	vst.idx.add.f32.msk $0xffff, v2;
	v35 =	vadd.s32 v32, v45  }
0xb2: {  	s18 =	sadd.s32 $0x80, s18;
	s19 =	sadd.s32 $0x200, s19;
	[tilespmem:v39+s12+$0x0] =	vst.idx.add.f32.msk $0xffff, v2  }
0xb3: {  	_ =	sdelay $0x3  }
0xb4: {  	[tilespmem:v37+s12+$0x0] =	vst.idx.add.f32.msk $0xffff, v2  }
0xb5: {  	[tilespmem:v36+s12+$0x0] =	vst.idx.add.f32.msk $0xffff, v2  }
0xb6: {  	[tilespmem:v34+s12+$0x0] =	vst.idx.add.f32.msk $0xffff, v2  }
0xb7: {  	[tilespmem:v35+s12+$0x0] =	vst.idx.add.f32.msk $0xffff, v2  }
0xb8: {  	[hbm4b:s7+s2] =	stream.linear.scatter [tilespmem:s15], [sflag:$0x1], $0x4000, $0x38;
	[tilespmem:$0x17000] =	vst v63  }
0xb9: {  	_ =	swait.ge [sflag:s11], $0x4000  }
0xba: {  	[sflag:s11] =	ssyncset.done $0x0  }
0xbb: {  	[sflag:s11] =	ssyncadd.s32 $0xFFFFC000  }
0xbc: {  	_ =	swait.ge [sflag:s11], $0x4000  }
0xbd: {  	[sflag:s11] =	ssyncset.done $0x0  }
0xbe: {  	s16 =	sadd.s32 $0x1, s16;
	[sflag:s11] =	ssyncadd.s32 $0xFFFFC000  }
0xbf: {  	p0 =	sne.s32 s16, s8;
	_ =	swait.ge [sflag:s11], $0x4000  }
.Ltmp5:
0xc0: {  	[sflag:s11] =	ssyncset.done $0x0;
	(pc) =	sbr.rel @p0 .LBB2_1-.Ltmp5, $4  }
0xc1: {  	[sflag:s11] =	ssyncadd.s32 $0xFFFFC000  }
0xc2: {  	_ =	swait.ge [sflag:s11], $0x4000  }
0xc3: {  	[sflag:s11] =	ssyncset.done $0x0  }
0xc4: {  	[sflag:s11] =	ssyncadd.s32 $0xFFFFC000  }
0xc5: {  	_ =	sfence.sel $0x180000  }
0xc6: {  	[bflag:$0x0] =	sbarrier.arrive $0xFFFF  }
0xc7: {  	p0 =	sne.s32 s1, $0x0;
	_ =	strace $0x90000047  }
0xc8: {  	s0 =	sadd.s32 @!p0 $0x100000, s0;
	[bflag:$0x2] =	sbarrier.arrive $0xFFFF  }
0xc9: {  	[sflag:s0] =	ssyncadd.tile.s32 @!p0 $0x1;
	_ =	shalt  }
.Lfunc_end2:
_tile_overlayer_lowered:
.L_overlay_start_2:
0xca: {  	(tag) =	ssettag $0x2  }
0xcb: {  	s0 =	rddreg [dreg:$0x0];
	s2 =	stileid.u32  }
0xcc: {  	s1 =	rddreg [dreg:$0x1];
	p0 =	sne.s32 s2, $0x0  }
0xcd: {  	s3 =	rddreg [dreg:$0x2];
	[bflag:$0x3] =	sbarrier.arrive $0xFFFF;
	s2 =	simm.s32 @!p0 $0x1C02  }
0xce: {  	[timem:s3], [sflag:s2] =	dma.local @!p0 [hbm:s0], s1  }
0xcf: {  	s0 =	simm.s32 @!p0 $0x2  }
0xd0: {  	_ =	swait.ge @!p0 [sflag:s0], s1  }
0xd1: {  	s1 =	ssub.s32 @!p0 $0x0, s1;
	[sflag:s0] =	ssyncset.done @!p0 $0x0  }
0xd2: {  	[sflag:s0] =	ssyncadd.s32 @!p0 s1  }
0xd3: {  	[bflag:$0x3] =	sbarrier.arrive $0xFFFF  }
0xd4: {  	_ =	shalt  }

</sc_bundles>
